<compile_context>
chip_gen: v7x
topology: tpu7x:2x2x1
jax: 0.10.2.dev20260603
libtpu: 0.0.44.dev20260713+nightly
codegen_flags: <defaults>
</compile_context>

<pallas_src>
import functools

import jax
import jax.numpy as jnp
from jax import lax
from jax.experimental import pallas as pl
from jax.experimental.pallas import tpu as pltpu
from jax.experimental.pallas import tpu_sc as plsc

N_NODES = 10000
D = 128
CHUNK = 128
NC, NS = 2, 16
NW = NC * NS
ACC_ROWS = 10240
ZERO_ROWS = 64
SUB_OUT = 632
OUT_ROWS = NS * SUB_OUT
TC_BLK = 5000


def _sc_segment_sum(feature, src_idx, dst_idx, n_chunks):
    mesh = plsc.VectorSubcoreMesh(core_axis_name="c", subcore_axis_name="s")

    @functools.partial(
        pl.kernel,
        mesh=mesh,
        out_type=jax.ShapeDtypeStruct((NC, OUT_ROWS, D), jnp.float32),
        scratch_types=[
            pltpu.VMEM((n_chunks, CHUNK), jnp.int32),
            pltpu.VMEM((n_chunks, CHUNK), jnp.int32),
            pltpu.VMEM((CHUNK, D), jnp.float32),
            pltpu.VMEM((ZERO_ROWS, D), jnp.float32),
            pltpu.VMEM_SHARED((ACC_ROWS, D), jnp.float32),
            pltpu.SemaphoreType.DMA,
        ],
    )
    def k(src_hbm, dst_hbm, feat_hbm, out_hbm, src_v, dst_v, rows_a,
          zero_v, acc, semg_a):
        c = lax.axis_index("c")
        s = lax.axis_index("s")
        w = c * NS + s

        def zrow(i, _):
            for j in range(D // 16):
                zero_v[i, pl.ds(j * 16, 16)] = jnp.zeros((16,), jnp.float32)
            return 0
        lax.fori_loop(0, ZERO_ROWS, zrow, 0)

        rows_per_sub = ACC_ROWS // NS
        def zacc(i, _):
            pltpu.sync_copy(
                zero_v,
                acc.at[pl.ds(s * rows_per_sub + i * ZERO_ROWS, ZERO_ROWS)])
            return 0
        lax.fori_loop(0, rows_per_sub // ZERO_ROWS, zacc, 0)
        plsc.subcore_barrier()

        pltpu.sync_copy(src_hbm.at[w], src_v)
        pltpu.sync_copy(dst_hbm.at[w], dst_v)

        def chunk(j, _):
            pltpu.async_copy(feat_hbm.at[src_v.at[j]], rows_a, semg_a).wait()
            pltpu.sync_copy(rows_a, acc.at[dst_v.at[j]], add=True)
            return 0
        lax.fori_loop(0, n_chunks, chunk, 0)
        plsc.subcore_barrier()

        pltpu.sync_copy(acc.at[pl.ds(s * SUB_OUT, SUB_OUT)],
                        out_hbm.at[c, pl.ds(s * SUB_OUT, SUB_OUT)])

    return k(src_idx, dst_idx, feature)


def _tc_linear(partials, w_t, b2d):
    def body(p_ref, w_ref, b_ref, o_ref):
        h = p_ref[0] + p_ref[1]
        o_ref[...] = jnp.dot(h, w_ref[...],
                             preferred_element_type=jnp.float32) + b_ref[...]

    return pl.pallas_call(
        body,
        grid=(N_NODES // TC_BLK,),
        in_specs=[
            pl.BlockSpec((NC, TC_BLK, D), lambda i: (0, i, 0)),
            pl.BlockSpec((D, D), lambda i: (0, 0)),
            pl.BlockSpec((1, D), lambda i: (0, 0)),
        ],
        out_specs=pl.BlockSpec((TC_BLK, D), lambda i: (i, 0)),
        out_shape=jax.ShapeDtypeStruct((N_NODES, D), jnp.float32),
    )(partials, w_t, b2d)


def kernel(feature, edge_index, W, b):
    src = edge_index[0].astype(jnp.int32)
    dst = edge_index[1].astype(jnp.int32)
    e = src.shape[0]
    n_chunks = -(-e // (NW * CHUNK))
    per_w = e // NW
    pad_w = n_chunks * CHUNK - per_w
    n_abs = ACC_ROWS - N_NODES
    pad_dst = N_NODES + ((jnp.arange(NW, dtype=jnp.int32)[:, None] * 97
                          + jnp.arange(pad_w, dtype=jnp.int32)[None, :])
                         % n_abs)
    pad_src = ((jnp.arange(NW, dtype=jnp.int32)[:, None] * 997
                + jnp.arange(pad_w, dtype=jnp.int32)[None, :] * 31)
               % N_NODES)
    src = jnp.concatenate([src.reshape(NW, per_w), pad_src], axis=1)
    dst = jnp.concatenate(
        [dst.reshape(NW, per_w), pad_dst], axis=1)
    src = src.reshape(NW, n_chunks, CHUNK)
    dst = dst.reshape(NW, n_chunks, CHUNK)

    partials = _sc_segment_sum(feature, src, dst, n_chunks)
    return _tc_linear(partials, W.T, b.reshape(1, D))

# --- scband reference (transcript-rebuilt; emitter-appended) ---
"""Pipeline reference for scband-gcnlayer-1194000908631 (READ-ONLY COPY).

The authoritative reference and input builder live on the scoring server;
editing this copy changes nothing except your own understanding.
"""

import jax, jax.numpy as jnp
import numpy as np

N_NODES = 10000
N_EDGES = 320000
D_IN = 128
D_OUT = 128

def setup_inputs(seed: int = 0) -> dict:
    key = jax.random.key(seed)
    k1, k2, k3, k4 = jax.random.split(key, 4)
    feature = jax.random.normal(k1, (N_NODES, D_IN), dtype=jnp.float32)
    edge_index = jax.random.randint(k2, (2, N_EDGES), 0, N_NODES, dtype=jnp.int64)
    # nn.Linear(in_feats, out_feats) parameters
    bound = 1.0 / np.sqrt(D_IN)
    W = jax.random.uniform(k3, (D_OUT, D_IN), dtype=jnp.float32, minval=-bound, maxval=bound)
    b = jax.random.uniform(k4, (D_OUT,), dtype=jnp.float32, minval=-bound, maxval=bound)
    return {"feature": feature, "edge_index": edge_index, "W": W, "b": b}

def reference(feature, edge_index, W, b):
    # gcn_msg = fn.copy_u('h','m'): message is source node feature
    src = edge_index[0]
    dst = edge_index[1]
    msgs = jnp.take(feature, src, axis=0)            # gather (SparseCore)
    # gcn_reduce = fn.sum: scatter-add messages to destination nodes
    h = jax.ops.segment_sum(msgs, dst, num_segments=N_NODES)
    # self.linear(h)
    return h @ W.T + b

if __name__ == "__main__":
    import jax
    _d = setup_inputs()
    print(jax.jit(kernel)(*tuple(_d.values())))

</pallas_src>

<mosaic_0001>
#map = affine_map<(d0, d1) -> (0, 0, 0)>
#map1 = affine_map<(d0, d1) -> (0, 0)>
module attributes {stable_mosaic.version = 14 : i64} {
  func.func @k(%arg0: i32, %arg1: i32, %arg2: memref<32x79x128xi32, #tpu.memory_space<hbm>>, %arg3: memref<32x79x128xi32, #tpu.memory_space<hbm>>, %arg4: memref<10000x128xf32, #tpu.memory_space<hbm>>, %arg5: memref<2x10112x128xf32, #tpu.memory_space<hbm>>, %arg6: memref<79x128xi32, #tpu.memory_space<vmem>>, %arg7: memref<79x128xi32, #tpu.memory_space<vmem>>, %arg8: memref<128x128xf32, #tpu.memory_space<vmem>>, %arg9: memref<64x128xf32, #tpu.memory_space<vmem>>, %arg10: memref<10240x128xf32, #tpu.memory_space<vmem_shared>>, %arg11: memref<!tpu.dma_semaphore, #tpu.memory_space<semaphore_mem>>) attributes {dimension_semantics = [#tpu.dimension_semantics<core_parallel>, #tpu.dimension_semantics<subcore_parallel>], iteration_bounds = array<i64: 2, 16>, scalar_prefetch = 0 : i64, scratch_operands = 6 : i64, tpu.core_type = #tpu.core_type<sc_vector_subcore>, window_params = [{transform_indices = #map}, {transform_indices = #map}, {transform_indices = #map1}, {transform_indices = #map}]} {
    %mul3A = arith.constant 16 : i32
    %mul3A_0 = arith.muli %arg0, %mul3A : i32
    %add3A = arith.addi %mul3A_0, %arg1 : i32
    %scan3A = arith.constant 0 : i32
    %scan3A_1 = arith.constant 0 : i32
    %scan3A_2 = arith.constant 64 : i32
    %scan3A_3 = arith.addi %scan3A_1, %scan3A_2 : i32
    %scan3A_4 = arith.constant 1 : i32
    %scan3A_5 = scf.for %scan3A_26 = %scan3A_1 to %scan3A_3 step %scan3A_4 iter_args(%scan3A_27 = %scan3A) -> (i32)  : i32 {
      %broadcast_in_dim3A = arith.constant 0.000000e+00 : f32
      %broadcast_in_dim3A_28 = vector.broadcast %broadcast_in_dim3A : f32 to vector<16xf32>
      %swap3A = arith.index_cast %scan3A_26 : i32 to index
      %swap3A_29 = arith.constant 0 : index
      %swap3A_30 = tpu.vector_load %arg9[%swap3A, %swap3A_29] {strides = array<i32>} : memref<64x128xf32, #tpu.memory_space<vmem>>, vector<1x16xf32>,
      %swap3A_31 = vector.shape_cast %swap3A_30 : vector<1x16xf32> to vector<16xf32>
      %swap3A_32 = vector.shape_cast %broadcast_in_dim3A_28 : vector<16xf32> to vector<1x16xf32>
      tpu.vector_store %arg9[%swap3A, %swap3A_29], %swap3A_32 {strides = array<i32>} : memref<64x128xf32, #tpu.memory_space<vmem>>, vector<1x16xf32>,
      %broadcast_in_dim3A_33 = arith.constant 0.000000e+00 : f32
      %broadcast_in_dim3A_34 = vector.broadcast %broadcast_in_dim3A_33 : f32 to vector<16xf32>
      %swap3A_35 = arith.index_cast %scan3A_26 : i32 to index
      %swap3A_36 = arith.constant 16 : index
      %swap3A_37 = tpu.vector_load %arg9[%swap3A_35, %swap3A_36] {strides = array<i32>} : memref<64x128xf32, #tpu.memory_space<vmem>>, vector<1x16xf32>,
      %swap3A_38 = vector.shape_cast %swap3A_37 : vector<1x16xf32> to vector<16xf32>
      %swap3A_39 = vector.shape_cast %broadcast_in_dim3A_34 : vector<16xf32> to vector<1x16xf32>
      tpu.vector_store %arg9[%swap3A_35, %swap3A_36], %swap3A_39 {strides = array<i32>} : memref<64x128xf32, #tpu.memory_space<vmem>>, vector<1x16xf32>,
      %broadcast_in_dim3A_40 = arith.constant 0.000000e+00 : f32
      %broadcast_in_dim3A_41 = vector.broadcast %broadcast_in_dim3A_40 : f32 to vector<16xf32>
      %swap3A_42 = arith.index_cast %scan3A_26 : i32 to index
      %swap3A_43 = arith.constant 32 : index
      %swap3A_44 = tpu.vector_load %arg9[%swap3A_42, %swap3A_43] {strides = array<i32>} : memref<64x128xf32, #tpu.memory_space<vmem>>, vector<1x16xf32>,
      %swap3A_45 = vector.shape_cast %swap3A_44 : vector<1x16xf32> to vector<16xf32>
      %swap3A_46 = vector.shape_cast %broadcast_in_dim3A_41 : vector<16xf32> to vector<1x16xf32>
      tpu.vector_store %arg9[%swap3A_42, %swap3A_43], %swap3A_46 {strides = array<i32>} : memref<64x128xf32, #tpu.memory_space<vmem>>, vector<1x16xf32>,
      %broadcast_in_dim3A_47 = arith.constant 0.000000e+00 : f32
      %broadcast_in_dim3A_48 = vector.broadcast %broadcast_in_dim3A_47 : f32 to vector<16xf32>
      %swap3A_49 = arith.index_cast %scan3A_26 : i32 to index
      %swap3A_50 = arith.constant 48 : index
      %swap3A_51 = tpu.vector_load %arg9[%swap3A_49, %swap3A_50] {strides = array<i32>} : memref<64x128xf32, #tpu.memory_space<vmem>>, vector<1x16xf32>,
      %swap3A_52 = vector.shape_cast %swap3A_51 : vector<1x16xf32> to vector<16xf32>
      %swap3A_53 = vector.shape_cast %broadcast_in_dim3A_48 : vector<16xf32> to vector<1x16xf32>
      tpu.vector_store %arg9[%swap3A_49, %swap3A_50], %swap3A_53 {strides = array<i32>} : memref<64x128xf32, #tpu.memory_space<vmem>>, vector<1x16xf32>,
      %broadcast_in_dim3A_54 = arith.constant 0.000000e+00 : f32
      %broadcast_in_dim3A_55 = vector.broadcast %broadcast_in_dim3A_54 : f32 to vector<16xf32>
      %swap3A_56 = arith.index_cast %scan3A_26 : i32 to index
      %swap3A_57 = arith.constant 64 : index
      %swap3A_58 = tpu.vector_load %arg9[%swap3A_56, %swap3A_57] {strides = array<i32>} : memref<64x128xf32, #tpu.memory_space<vmem>>, vector<1x16xf32>,
      %swap3A_59 = vector.shape_cast %swap3A_58 : vector<1x16xf32> to vector<16xf32>
      %swap3A_60 = vector.shape_cast %broadcast_in_dim3A_55 : vector<16xf32> to vector<1x16xf32>
      tpu.vector_store %arg9[%swap3A_56, %swap3A_57], %swap3A_60 {strides = array<i32>} : memref<64x128xf32, #tpu.memory_space<vmem>>, vector<1x16xf32>,
      %broadcast_in_dim3A_61 = arith.constant 0.000000e+00 : f32
      %broadcast_in_dim3A_62 = vector.broadcast %broadcast_in_dim3A_61 : f32 to vector<16xf32>
      %swap3A_63 = arith.index_cast %scan3A_26 : i32 to index
      %swap3A_64 = arith.constant 80 : index
      %swap3A_65 = tpu.vector_load %arg9[%swap3A_63, %swap3A_64] {strides = array<i32>} : memref<64x128xf32, #tpu.memory_space<vmem>>, vector<1x16xf32>,
      %swap3A_66 = vector.shape_cast %swap3A_65 : vector<1x16xf32> to vector<16xf32>
      %swap3A_67 = vector.shape_cast %broadcast_in_dim3A_62 : vector<16xf32> to vector<1x16xf32>
      tpu.vector_store %arg9[%swap3A_63, %swap3A_64], %swap3A_67 {strides = array<i32>} : memref<64x128xf32, #tpu.memory_space<vmem>>, vector<1x16xf32>,
      %broadcast_in_dim3A_68 = arith.constant 0.000000e+00 : f32
      %broadcast_in_dim3A_69 = vector.broadcast %broadcast_in_dim3A_68 : f32 to vector<16xf32>
      %swap3A_70 = arith.index_cast %scan3A_26 : i32 to index
      %swap3A_71 = arith.constant 96 : index
      %swap3A_72 = tpu.vector_load %arg9[%swap3A_70, %swap3A_71] {strides = array<i32>} : memref<64x128xf32, #tpu.memory_space<vmem>>, vector<1x16xf32>,
      %swap3A_73 = vector.shape_cast %swap3A_72 : vector<1x16xf32> to vector<16xf32>
      %swap3A_74 = vector.shape_cast %broadcast_in_dim3A_69 : vector<16xf32> to vector<1x16xf32>
      tpu.vector_store %arg9[%swap3A_70, %swap3A_71], %swap3A_74 {strides = array<i32>} : memref<64x128xf32, #tpu.memory_space<vmem>>, vector<1x16xf32>,
      %broadcast_in_dim3A_75 = arith.constant 0.000000e+00 : f32
      %broadcast_in_dim3A_76 = vector.broadcast %broadcast_in_dim3A_75 : f32 to vector<16xf32>
      %swap3A_77 = arith.index_cast %scan3A_26 : i32 to index
      %swap3A_78 = arith.constant 112 : index
      %swap3A_79 = tpu.vector_load %arg9[%swap3A_77, %swap3A_78] {strides = array<i32>} : memref<64x128xf32, #tpu.memory_space<vmem>>, vector<1x16xf32>,
      %swap3A_80 = vector.shape_cast %swap3A_79 : vector<1x16xf32> to vector<16xf32>
      %swap3A_81 = vector.shape_cast %broadcast_in_dim3A_76 : vector<16xf32> to vector<1x16xf32>
      tpu.vector_store %arg9[%swap3A_77, %swap3A_78], %swap3A_81 {strides = array<i32>} : memref<64x128xf32, #tpu.memory_space<vmem>>, vector<1x16xf32>,
      %scan3A_82 = arith.constant 0 : i32
      scf.yield %scan3A_82 : i32
    }
    %scan3A_6 = arith.constant 64 : i32
    %scan3A_7 = arith.constant 0 : i32
    %scan3A_8 = arith.constant 0 : i32
    %scan3A_9 = arith.constant 10 : i32
    %scan3A_10 = arith.addi %scan3A_8, %scan3A_9 : i32
    %scan3A_11 = arith.constant 1 : i32
    %scan3A_12 = scf.for %scan3A_26 = %scan3A_8 to %scan3A_10 step %scan3A_11 iter_args(%scan3A_27 = %scan3A_7) -> (i32)  : i32 {
      %mul3A_28 = arith.constant 640 : i32
      %mul3A_29 = arith.muli %arg1, %mul3A_28 : i32
      %mul3A_30 = arith.constant 64 : i32
      %mul3A_31 = arith.muli %scan3A_26, %mul3A_30 : i32
      %add3A_32 = arith.addi %mul3A_29, %mul3A_31 : i32
      "tpu.region"() ({
        %run_scoped3A = tpu.sem_alloc : memref<!tpu.dma_semaphore, #tpu.memory_space<semaphore_mem>>
        %dma_start3A = arith.constant 0 : i32
        %dma_start3A_34 = tpu.memref_slice %arg10[%add3A_32, %dma_start3A] : memref<10240x128xf32, #tpu.memory_space<vmem_shared>> -> memref<64x128xf32, #tpu.memory_space<vmem_shared>>
        %dma_start3A_35 = arith.constant 0 : i32
        %dma_start3A_36 = tpu.memref_slice %arg10[%add3A_32, %dma_start3A_35] : memref<10240x128xf32, #tpu.memory_space<vmem_shared>> -> memref<64x128xf32, #tpu.memory_space<vmem_shared>>
        tpu.enqueue_dma source(%arg9 : memref<64x128xf32, #tpu.memory_space<vmem>>) target(%dma_start3A_36 : memref<64x128xf32, #tpu.memory_space<vmem_shared>>) target_semaphore(%run_scoped3A : memref<!tpu.dma_semaphore, #tpu.memory_space<semaphore_mem>>)
        %dma_wait3A = arith.constant 0 : i32
        %dma_wait3A_37 = tpu.memref_slice %arg10[%add3A_32, %dma_wait3A] : memref<10240x128xf32, #tpu.memory_space<vmem_shared>> -> memref<64x128xf32, #tpu.memory_space<vmem_shared>>
        %dma_wait3A_38 = arith.constant 0 : i32
        %dma_wait3A_39 = tpu.memref_slice %arg10[%add3A_32, %dma_wait3A_38] : memref<10240x128xf32, #tpu.memory_space<vmem_shared>> -> memref<64x128xf32, #tpu.memory_space<vmem_shared>>
        tpu.wait_dma2 semaphore(%run_scoped3A : memref<!tpu.dma_semaphore, #tpu.memory_space<semaphore_mem>>) src(%arg9 : memref<64x128xf32, #tpu.memory_space<vmem>>) dst(%dma_wait3A_39 : memref<64x128xf32, #tpu.memory_space<vmem_shared>>)
        tpu.yield
      }) : () -> ()
      %scan3A_33 = arith.constant 0 : i32
      scf.yield %scan3A_33 : i32
    }
    %scan3A_13 = arith.constant 10 : i32
    %barrier3A = arith.constant 0 : index
    tpu.barrier barrier_id(%barrier3A)
    "tpu.region"() ({
      %run_scoped3A = tpu.sem_alloc : memref<!tpu.dma_semaphore, #tpu.memory_space<semaphore_mem>>
      %dma_start3A = arith.constant 0 : i32
      %dma_start3A_26 = arith.constant 0 : i32
      %dma_start3A_27 = tpu.memref_slice %arg2[%add3A, %dma_start3A, %dma_start3A_26] : memref<32x79x128xi32, #tpu.memory_space<hbm>> -> memref<1x79x128xi32, #tpu.memory_space<hbm>>
      %dma_start3A_28 = tpu.memref_squeeze %dma_start3A_27 : memref<1x79x128xi32, #tpu.memory_space<hbm>> -> memref<79x128xi32, #tpu.memory_space<hbm>>
      %dma_start3A_29 = arith.constant 0 : i32
      %dma_start3A_30 = arith.constant 0 : i32
      %dma_start3A_31 = tpu.memref_slice %arg2[%add3A, %dma_start3A_29, %dma_start3A_30] : memref<32x79x128xi32, #tpu.memory_space<hbm>> -> memref<1x79x128xi32, #tpu.memory_space<hbm>>
      %dma_start3A_32 = tpu.memref_squeeze %dma_start3A_31 : memref<1x79x128xi32, #tpu.memory_space<hbm>> -> memref<79x128xi32, #tpu.memory_space<hbm>>
      tpu.enqueue_dma source(%dma_start3A_32 : memref<79x128xi32, #tpu.memory_space<hbm>>) target(%arg6 : memref<79x128xi32, #tpu.memory_space<vmem>>) target_semaphore(%run_scoped3A : memref<!tpu.dma_semaphore, #tpu.memory_space<semaphore_mem>>)
      %dma_wait3A = arith.constant 0 : i32
      %dma_wait3A_33 = arith.constant 0 : i32
      %dma_wait3A_34 = tpu.memref_slice %arg2[%add3A, %dma_wait3A, %dma_wait3A_33] : memref<32x79x128xi32, #tpu.memory_space<hbm>> -> memref<1x79x128xi32, #tpu.memory_space<hbm>>
      %dma_wait3A_35 = tpu.memref_squeeze %dma_wait3A_34 : memref<1x79x128xi32, #tpu.memory_space<hbm>> -> memref<79x128xi32, #tpu.memory_space<hbm>>
      %dma_wait3A_36 = arith.constant 0 : i32
      %dma_wait3A_37 = arith.constant 0 : i32
      %dma_wait3A_38 = tpu.memref_slice %arg2[%add3A, %dma_wait3A_36, %dma_wait3A_37] : memref<32x79x128xi32, #tpu.memory_space<hbm>> -> memref<1x79x128xi32, #tpu.memory_space<hbm>>
      %dma_wait3A_39 = tpu.memref_squeeze %dma_wait3A_38 : memref<1x79x128xi32, #tpu.memory_space<hbm>> -> memref<79x128xi32, #tpu.memory_space<hbm>>
      tpu.wait_dma2 semaphore(%run_scoped3A : memref<!tpu.dma_semaphore, #tpu.memory_space<semaphore_mem>>) src(%dma_wait3A_39 : memref<79x128xi32, #tpu.memory_space<hbm>>) dst(%arg6 : memref<79x128xi32, #tpu.memory_space<vmem>>)
      tpu.yield
    }) : () -> ()
    "tpu.region"() ({
      %run_scoped3A = tpu.sem_alloc : memref<!tpu.dma_semaphore, #tpu.memory_space<semaphore_mem>>
      %dma_start3A = arith.constant 0 : i32
      %dma_start3A_26 = arith.constant 0 : i32
      %dma_start3A_27 = tpu.memref_slice %arg3[%add3A, %dma_start3A, %dma_start3A_26] : memref<32x79x128xi32, #tpu.memory_space<hbm>> -> memref<1x79x128xi32, #tpu.memory_space<hbm>>
      %dma_start3A_28 = tpu.memref_squeeze %dma_start3A_27 : memref<1x79x128xi32, #tpu.memory_space<hbm>> -> memref<79x128xi32, #tpu.memory_space<hbm>>
      %dma_start3A_29 = arith.constant 0 : i32
      %dma_start3A_30 = arith.constant 0 : i32
      %dma_start3A_31 = tpu.memref_slice %arg3[%add3A, %dma_start3A_29, %dma_start3A_30] : memref<32x79x128xi32, #tpu.memory_space<hbm>> -> memref<1x79x128xi32, #tpu.memory_space<hbm>>
      %dma_start3A_32 = tpu.memref_squeeze %dma_start3A_31 : memref<1x79x128xi32, #tpu.memory_space<hbm>> -> memref<79x128xi32, #tpu.memory_space<hbm>>
      tpu.enqueue_dma source(%dma_start3A_32 : memref<79x128xi32, #tpu.memory_space<hbm>>) target(%arg7 : memref<79x128xi32, #tpu.memory_space<vmem>>) target_semaphore(%run_scoped3A : memref<!tpu.dma_semaphore, #tpu.memory_space<semaphore_mem>>)
      %dma_wait3A = arith.constant 0 : i32
      %dma_wait3A_33 = arith.constant 0 : i32
      %dma_wait3A_34 = tpu.memref_slice %arg3[%add3A, %dma_wait3A, %dma_wait3A_33] : memref<32x79x128xi32, #tpu.memory_space<hbm>> -> memref<1x79x128xi32, #tpu.memory_space<hbm>>
      %dma_wait3A_35 = tpu.memref_squeeze %dma_wait3A_34 : memref<1x79x128xi32, #tpu.memory_space<hbm>> -> memref<79x128xi32, #tpu.memory_space<hbm>>
      %dma_wait3A_36 = arith.constant 0 : i32
      %dma_wait3A_37 = arith.constant 0 : i32
      %dma_wait3A_38 = tpu.memref_slice %arg3[%add3A, %dma_wait3A_36, %dma_wait3A_37] : memref<32x79x128xi32, #tpu.memory_space<hbm>> -> memref<1x79x128xi32, #tpu.memory_space<hbm>>
      %dma_wait3A_39 = tpu.memref_squeeze %dma_wait3A_38 : memref<1x79x128xi32, #tpu.memory_space<hbm>> -> memref<79x128xi32, #tpu.memory_space<hbm>>
      tpu.wait_dma2 semaphore(%run_scoped3A : memref<!tpu.dma_semaphore, #tpu.memory_space<semaphore_mem>>) src(%dma_wait3A_39 : memref<79x128xi32, #tpu.memory_space<hbm>>) dst(%arg7 : memref<79x128xi32, #tpu.memory_space<vmem>>)
      tpu.yield
    }) : () -> ()
    %scan3A_14 = arith.constant 0 : i32
    %scan3A_15 = arith.constant 0 : i32
    %scan3A_16 = arith.constant 79 : i32
    %scan3A_17 = arith.addi %scan3A_15, %scan3A_16 : i32
    %scan3A_18 = arith.constant 1 : i32
    %scan3A_19 = scf.for %scan3A_26 = %scan3A_15 to %scan3A_17 step %scan3A_18 iter_args(%scan3A_27 = %scan3A_14) -> (i32)  : i32 {
      %dma_start3A = arith.constant 0 : i32
      %dma_start3A_28 = tpu.memref_slice %arg6[%scan3A_26, %dma_start3A] : memref<79x128xi32, #tpu.memory_space<vmem>> -> memref<1x128xi32, #tpu.memory_space<vmem>>
      %dma_start3A_29 = tpu.memref_squeeze %dma_start3A_28 : memref<1x128xi32, #tpu.memory_space<vmem>> -> memref<128xi32, #tpu.memory_space<vmem>>
      %dma_start3A_30 = arith.constant 0 : i32
      %dma_start3A_31 = arith.constant 0 : i32
      %dma_start3A_32 = tpu.memref_slice %arg4[%dma_start3A_30, %dma_start3A_31] : memref<10000x128xf32, #tpu.memory_space<hbm>> -> memref<10000x128xf32, #tpu.memory_space<hbm>>
      tpu.enqueue_indirect_dma source(%dma_start3A_32 : memref<10000x128xf32, #tpu.memory_space<hbm>>) target(%arg8 : memref<128x128xf32, #tpu.memory_space<vmem>>) offsets(%dma_start3A_29 : memref<128xi32, #tpu.memory_space<vmem>>) semaphore(%arg11 : memref<!tpu.dma_semaphore, #tpu.memory_space<semaphore_mem>>)
      %dma_wait3A = arith.constant 0 : i32
      %dma_wait3A_33 = tpu.memref_slice %arg6[%scan3A_26, %dma_wait3A] : memref<79x128xi32, #tpu.memory_space<vmem>> -> memref<1x128xi32, #tpu.memory_space<vmem>>
      %dma_wait3A_34 = tpu.memref_squeeze %dma_wait3A_33 : memref<1x128xi32, #tpu.memory_space<vmem>> -> memref<128xi32, #tpu.memory_space<vmem>>
      %dma_wait3A_35 = arith.constant 0 : i32
      %dma_wait3A_36 = arith.constant 0 : i32
      %dma_wait3A_37 = tpu.memref_slice %arg4[%dma_wait3A_35, %dma_wait3A_36] : memref<10000x128xf32, #tpu.memory_space<hbm>> -> memref<10000x128xf32, #tpu.memory_space<hbm>>
      tpu.wait_indirect_dma semaphore(%arg11 : memref<!tpu.dma_semaphore, #tpu.memory_space<semaphore_mem>>) src(%dma_wait3A_37 : memref<10000x128xf32, #tpu.memory_space<hbm>>) dst(%arg8 : memref<128x128xf32, #tpu.memory_space<vmem>>)
      "tpu.region"() ({
        %run_scoped3A = tpu.sem_alloc : memref<!tpu.dma_semaphore, #tpu.memory_space<semaphore_mem>>
        %dma_start3A_39 = arith.constant 0 : i32
        %dma_start3A_40 = tpu.memref_slice %arg7[%scan3A_26, %dma_start3A_39] : memref<79x128xi32, #tpu.memory_space<vmem>> -> memref<1x128xi32, #tpu.memory_space<vmem>>
        %dma_start3A_41 = tpu.memref_squeeze %dma_start3A_40 : memref<1x128xi32, #tpu.memory_space<vmem>> -> memref<128xi32, #tpu.memory_space<vmem>>
        %dma_start3A_42 = arith.constant 0 : i32
        %dma_start3A_43 = arith.constant 0 : i32
        %dma_start3A_44 = tpu.memref_slice %arg10[%dma_start3A_42, %dma_start3A_43] : memref<10240x128xf32, #tpu.memory_space<vmem_shared>> -> memref<10240x128xf32, #tpu.memory_space<vmem_shared>>
        tpu.enqueue_indirect_dma source(%arg8 : memref<128x128xf32, #tpu.memory_space<vmem>>) target(%dma_start3A_44 : memref<10240x128xf32, #tpu.memory_space<vmem_shared>>) offsets(%dma_start3A_41 : memref<128xi32, #tpu.memory_space<vmem>>) semaphore(%run_scoped3A : memref<!tpu.dma_semaphore, #tpu.memory_space<semaphore_mem>>) {add = true}
        %dma_wait3A_45 = arith.constant 0 : i32
        %dma_wait3A_46 = tpu.memref_slice %arg7[%scan3A_26, %dma_wait3A_45] : memref<79x128xi32, #tpu.memory_space<vmem>> -> memref<1x128xi32, #tpu.memory_space<vmem>>
        %dma_wait3A_47 = tpu.memref_squeeze %dma_wait3A_46 : memref<1x128xi32, #tpu.memory_space<vmem>> -> memref<128xi32, #tpu.memory_space<vmem>>
        %dma_wait3A_48 = arith.constant 0 : i32
        %dma_wait3A_49 = arith.constant 0 : i32
        %dma_wait3A_50 = tpu.memref_slice %arg10[%dma_wait3A_48, %dma_wait3A_49] : memref<10240x128xf32, #tpu.memory_space<vmem_shared>> -> memref<10240x128xf32, #tpu.memory_space<vmem_shared>>
        tpu.wait_indirect_dma semaphore(%run_scoped3A : memref<!tpu.dma_semaphore, #tpu.memory_space<semaphore_mem>>) src(%arg8 : memref<128x128xf32, #tpu.memory_space<vmem>>) dst(%dma_wait3A_50 : memref<10240x128xf32, #tpu.memory_space<vmem_shared>>)
        tpu.yield
      }) : () -> ()
      %scan3A_38 = arith.constant 0 : i32
      scf.yield %scan3A_38 : i32
    }
    %scan3A_20 = arith.constant 79 : i32
    %barrier3A_21 = arith.constant 0 : index
    tpu.barrier barrier_id(%barrier3A_21)
    %mul3A_22 = arith.constant 632 : i32
    %mul3A_23 = arith.muli %arg1, %mul3A_22 : i32
    %mul3A_24 = arith.constant 632 : i32
    %mul3A_25 = arith.muli %arg1, %mul3A_24 : i32
    "tpu.region"() ({
      %run_scoped3A = tpu.sem_alloc : memref<!tpu.dma_semaphore, #tpu.memory_space<semaphore_mem>>
      %dma_start3A = arith.constant 0 : i32
      %dma_start3A_26 = tpu.memref_slice %arg5[%arg0, %mul3A_25, %dma_start3A] : memref<2x10112x128xf32, #tpu.memory_space<hbm>> -> memref<1x632x128xf32, #tpu.memory_space<hbm>>
      %dma_start3A_27 = tpu.memref_squeeze %dma_start3A_26 : memref<1x632x128xf32, #tpu.memory_space<hbm>> -> memref<632x128xf32, #tpu.memory_space<hbm>>
      %dma_start3A_28 = arith.constant 0 : i32
      %dma_start3A_29 = tpu.memref_slice %arg10[%mul3A_23, %dma_start3A_28] : memref<10240x128xf32, #tpu.memory_space<vmem_shared>> -> memref<632x128xf32, #tpu.memory_space<vmem_shared>>
      tpu.enqueue_dma source(%dma_start3A_29 : memref<632x128xf32, #tpu.memory_space<vmem_shared>>) target(%dma_start3A_27 : memref<632x128xf32, #tpu.memory_space<hbm>>) target_semaphore(%run_scoped3A : memref<!tpu.dma_semaphore, #tpu.memory_space<semaphore_mem>>)
      %dma_wait3A = arith.constant 0 : i32
      %dma_wait3A_30 = tpu.memref_slice %arg5[%arg0, %mul3A_25, %dma_wait3A] : memref<2x10112x128xf32, #tpu.memory_space<hbm>> -> memref<1x632x128xf32, #tpu.memory_space<hbm>>
      %dma_wait3A_31 = tpu.memref_squeeze %dma_wait3A_30 : memref<1x632x128xf32, #tpu.memory_space<hbm>> -> memref<632x128xf32, #tpu.memory_space<hbm>>
      %dma_wait3A_32 = arith.constant 0 : i32
      %dma_wait3A_33 = tpu.memref_slice %arg10[%mul3A_23, %dma_wait3A_32] : memref<10240x128xf32, #tpu.memory_space<vmem_shared>> -> memref<632x128xf32, #tpu.memory_space<vmem_shared>>
      tpu.wait_dma2 semaphore(%run_scoped3A : memref<!tpu.dma_semaphore, #tpu.memory_space<semaphore_mem>>) src(%dma_wait3A_33 : memref<632x128xf32, #tpu.memory_space<vmem_shared>>) dst(%dma_wait3A_31 : memref<632x128xf32, #tpu.memory_space<hbm>>)
      tpu.yield
    }) : () -> ()
    return
  }
}

module attributes {stable_mosaic.version = 14 : i64} {
  func.func @body(%arg0: i32, %arg1: memref<2x5000x128xf32, #tpu.memory_space<vmem>>, %arg2: memref<128x128xf32, #tpu.memory_space<vmem>>, %arg3: memref<1x128xf32, #tpu.memory_space<vmem>>, %arg4: memref<5000x128xf32, #tpu.memory_space<vmem>>) attributes {dimension_semantics = [#tpu.dimension_semantics<arbitrary>], iteration_bounds = array<i64: 2>, scalar_prefetch = 0 : i64, scratch_operands = 0 : i64, tpu.core_type = #tpu.core_type<tc>, window_params = [{transform_indices = @transform_0, window_bounds = array<i64: 2, 5000, 128>}, {pipeline_mode = #tpu.pipeline_mode<synchronous>, transform_indices = @transform_1, window_bounds = array<i64: 128, 128>}, {pipeline_mode = #tpu.pipeline_mode<synchronous>, transform_indices = @transform_2, window_bounds = array<i64: 1, 128>}, {transform_indices = @transform_3, window_bounds = array<i64: 5000, 128>}]} {
    %get3A = arith.constant 0 : index
    %get3A_0 = arith.constant 0 : index
    %get3A_1 = arith.constant 0 : index
    %get3A_2 = vector.load %arg1[%get3A, %get3A_0, %get3A_1] : memref<2x5000x128xf32, #tpu.memory_space<vmem>>, vector<1x5000x128xf32>
    %get3A_3 = vector.shape_cast %get3A_2 : vector<1x5000x128xf32> to vector<5000x128xf32>
    %get3A_4 = arith.constant 1 : index
    %get3A_5 = arith.constant 0 : index
    %get3A_6 = arith.constant 0 : index
    %get3A_7 = vector.load %arg1[%get3A_4, %get3A_5, %get3A_6] : memref<2x5000x128xf32, #tpu.memory_space<vmem>>, vector<1x5000x128xf32>
    %get3A_8 = vector.shape_cast %get3A_7 : vector<1x5000x128xf32> to vector<5000x128xf32>
    %add3A = arith.addf %get3A_3, %get3A_8 : vector<5000x128xf32>
    %get3A_9 = arith.constant 0 : index
    %get3A_10 = arith.constant 0 : index
    %get3A_11 = vector.load %arg2[%get3A_9, %get3A_10] : memref<128x128xf32, #tpu.memory_space<vmem>>, vector<128x128xf32>
    %dot_general3A = arith.constant dense<0.000000e+00> : vector<5000x128xf32>
    %dot_general3A_12 = tpu.matmul %add3A, %get3A_11, %dot_general3A {dimension_numbers = #tpu.dot_dimension_numbers<[1], [0], [0], [1], [0, 0, 1, 1], [], []>, transpose_lhs_hint = false} : vector<5000x128xf32>, vector<128x128xf32>, vector<5000x128xf32> -> vector<5000x128xf32>
    %get3A_13 = arith.constant 0 : index
    %get3A_14 = arith.constant 0 : index
    %get3A_15 = vector.load %arg3[%get3A_13, %get3A_14] : memref<1x128xf32, #tpu.memory_space<vmem>>, vector<1x128xf32>
    %add3A_16 = vector.broadcast %get3A_15 : vector<1x128xf32> to vector<5000x128xf32>
    %add3A_17 = arith.addf %dot_general3A_12, %add3A_16 : vector<5000x128xf32>
    %swap3A = arith.constant 0 : index
    %swap3A_18 = arith.constant 0 : index
    %swap3A_19 = vector.load %arg4[%swap3A, %swap3A_18] : memref<5000x128xf32, #tpu.memory_space<vmem>>, vector<5000x128xf32>
    tpu.vector_store %arg4[%swap3A, %swap3A_18], %add3A_17 {strides = array<i32>} : memref<5000x128xf32, #tpu.memory_space<vmem>>, vector<5000x128xf32>,
    return
  }
  func.func @transform_0(%arg0: i32) -> (i32, i32, i32) {
    %c0_i32 = arith.constant 0 : i32
    %c0_i32_0 = arith.constant 0 : i32
    %c0_i32_1 = arith.constant 0 : i32
    return %c0_i32, %arg0, %c0_i32_0 : i32, i32, i32
  }
  func.func @transform_1(%arg0: i32) -> (i32, i32) {
    %c0_i32 = arith.constant 0 : i32
    %c0_i32_0 = arith.constant 0 : i32
    %c0_i32_1 = arith.constant 0 : i32
    return %c0_i32, %c0_i32_0 : i32, i32
  }
  func.func @transform_2(%arg0: i32) -> (i32, i32) {
    %c0_i32 = arith.constant 0 : i32
    %c0_i32_0 = arith.constant 0 : i32
    %c0_i32_1 = arith.constant 0 : i32
    return %c0_i32, %c0_i32_0 : i32, i32
  }
  func.func @transform_3(%arg0: i32) -> (i32, i32) {
    %c0_i32 = arith.constant 0 : i32
    %c0_i32_0 = arith.constant 0 : i32
    return %arg0, %c0_i32 : i32, i32
  }
}

</mosaic_0001>

<sc_bundles>
// kernel: kernel.4.cloned.1.call-start
scs
__scs_entry_jumppad:
0x0: {  	(pc) =	sbr.rel $0x88, $3  }
0x1: {  	(tag) =	ssettag $0x0;
	lr =	simm.s32 $0x1  }
0x2: {  	[smem:$0x3F9D] =	sst lr;
	_ =	strace $0xD0000000  }
0x3: {  	_ = 	snop  }
0x4: {  	_ = 	snop  }
0x5: {  	_ = 	snop  }
0x6: {  	_ = 	snop  }
0x7: {  	_ = 	snop  }
__scs_overlays_trampoline_lowered:
0x8: {  	[smem:$0x3FAC] =	sst s0  }
0x9: {  	[smem:$0x3FAD] =	sst s1  }
0xa: {  	[smem:$0x3FAE] =	sst s2  }
0xb: {  	[smem:$0x3FAF] =	sst s3  }
0xc: {  	[smem:$0x3FB0] =	sst s4  }
0xd: {  	[smem:$0x3FB1] =	sst s5  }
0xe: {  	[smem:$0x3FB2] =	sst s6  }
0xf: {  	[smem:$0x3FB3] =	sst s7  }
0x10: {  	[smem:$0x3FB4] =	sst s8  }
0x11: {  	[smem:$0x3FB5] =	sst s9;
	s0 =	simm.s32 @!p0 $0x0  }
0x12: {  	s1 =	sld [smem:$0x3F9B];
	s0 =	simm.s32 @p0 $0x1  }
0x13: {  	[smem:$0x3FB6] =	sst s0;
	s0 =	simm.s32 @!p1 $0x0  }
0x14: {  	s2 =	sld [smem:$0x3F9A];
	s0 =	simm.s32 @p1 $0x1  }
0x15: {  	[smem:$0x3FB7] =	sst s0;
	s0 =	simm.s32 @!p2 $0x0  }
0x16: {  	s3 =	sld [smem:$0x3FDB];
	s0 =	simm.s32 @p2 $0x1  }
0x17: {  	s4 =	simm.s32 $0x1BF5;
	[smem:$0x3FB9] =	sst s0  }
0x18: {  	s0 =	sld [smem:$0x3F9C];
	_ =	swait.ge [sflag:s4], $0x0  }
0x19: {  	s7 =	sld [smem:$0x3F9D]  }
0x1a: {  	s8 =	sadd.s32 $0xFFFFE003, lr  }
0x1b: {  	s9 =	sadd.s32 $0xFFFFFEF7, lr;
	s5 =	simm.s32 $0xFFFFFFFF;
	p2 =	slt.u32 s8, $0xFFFFF086  }
0x1c: {  	p1 =	slt.u32 s9, $0xF7A;
	s5 =	simm.s32 @!p2 $0x0  }
0x1d: {  	s5 =	simm.s32 @p1 $0x1;
	p0 =	seq.s32 s7, s2  }
0x1e: {  	s7 =	smul.u32 @!p0 $0xF7A, s2;
	p2 =	seq.s32 @!p0 s5, $0x0  }
0x1f: {  	s9 =	smul.u32 $0xF7A, s1;
	s8 =	simm.s32 @!p0 $0x1BF5;
	p2 =	por !p2, p0  }
0x20: {  	[sflag:s8] =	ssyncset.s32 @!p0 $0xFFFFF086;
	s6 =	sadd.s32 @!p0 s3, s7;
	s7 =	simm.s32 @!p0 $0x108  }
0x21: {  	s3 =	sadd.s32 s3, s9;
	s6 =	sadd.s32 @!p0 $0x88, s6;
	s7 =	simm.s32 @p2 $0x1082  }
0x22: {  	[simem:s7], [sflag:s8] =	dma.local @!p0 [hbm:s6], $0xF7A  }
0x23: {  	s9 =	sor.u32 $0xD0000000, s2;
	s6 =	simm.s32 $0x108;
	_ =	swait.ge @!p0 [sflag:s8], $0x0  }
0x24: {  	s3 =	sadd.s32 $0x88, s3;
	s6 =	simm.s32 @!p1 $0x1082;
	[sflag:s4] =	ssyncset.s32 $0xFFFFF086  }
0x25: {  	[simem:s6], [sflag:s4] =	dma.local [hbm:s3], $0xF7A  }
0x26: {  	[smem:$0x3F9D] =	sst s1;
	(tag) =	ssettag s2;
	_ =	strace s9  }
0x27: {  	s1 =	sld [smem:$0x3FAD]  }
0x28: {  	s2 =	sld [smem:$0x3FAE]  }
0x29: {  	s4 =	sld [smem:$0x3FB0]  }
0x2a: {  	p0 =	seq.s32 s5, $0x0;
	s5 =	sld [smem:$0x3FB1]  }
0x2b: {  	s6 =	sld [smem:$0x3FB2]  }
0x2c: {  	s7 =	sld [smem:$0x3FB3]  }
0x2d: {  	s3 =	simm.s32 $0x108;
	s8 =	sld [smem:$0x3FB4]  }
0x2e: {  	s3 =	simm.s32 @!p0 $0x1082;
	s9 =	sld [smem:$0x3FB5]  }
0x2f: {  	lr =	sadd.s32 s0, s3;
	s0 =	sld [smem:$0x3FAC]  }
0x30: {  	s3 =	sld [smem:$0x3FAF]  }
0x31: {  	[smem:$0x3FB8] =	sst s10  }
0x32: {  	s10 =	sld [smem:$0x3FB6];
	_ =	sdelay $0x3  }
0x33: {  	p0 =	seq.s32 s10, $0x1;
	s10 =	sld [smem:$0x3FB8];
	_ =	sdelay $0x3  }
0x34: {  	[smem:$0x3FB8] =	sst s10  }
0x35: {  	s10 =	sld [smem:$0x3FB7];
	_ =	sdelay $0x3  }
0x36: {  	p1 =	seq.s32 s10, $0x1;
	s10 =	sld [smem:$0x3FB8];
	_ =	sdelay $0x3  }
0x37: {  	[smem:$0x3FB8] =	sst s10  }
0x38: {  	s10 =	sld [smem:$0x3FB9]  }
0x39: {  	_ = 	snop;
	(pc) =	sbr.ind lr, $3  }
0x3a: {  	_ = 	snop  }
0x3b: {  	_ = 	snop  }
0x3c: {  	p2 =	seq.s32 s10, $0x1;
	s10 =	sld [smem:$0x3FB8]  }
0x3d: {  	_ =	shalt  }
0x3e: {  	_ =	shalt  }
0x3f: {  	_ =	shalt  }
0x40: {  	_ =	shalt  }
0x41: {  	_ =	shalt  }
0x42: {  	_ =	shalt  }
0x43: {  	_ =	shalt  }
0x44: {  	_ =	shalt  }
0x45: {  	_ =	shalt  }
0x46: {  	_ =	shalt  }
0x47: {  	_ =	shalt  }
0x48: {  	_ =	shalt  }
0x49: {  	_ =	shalt  }
0x4a: {  	_ =	shalt  }
0x4b: {  	_ =	shalt  }
0x4c: {  	_ =	shalt  }
0x4d: {  	_ =	shalt  }
0x4e: {  	_ =	shalt  }
0x4f: {  	_ =	shalt  }
0x50: {  	_ =	shalt  }
0x51: {  	_ =	shalt  }
0x52: {  	_ =	shalt  }
0x53: {  	_ =	shalt  }
0x54: {  	_ =	shalt  }
0x55: {  	_ =	shalt  }
0x56: {  	_ =	shalt  }
0x57: {  	_ =	shalt  }
0x58: {  	_ =	shalt  }
0x59: {  	_ =	shalt  }
0x5a: {  	_ =	shalt  }
0x5b: {  	_ =	shalt  }
0x5c: {  	_ =	shalt  }
0x5d: {  	_ =	shalt  }
0x5e: {  	_ =	shalt  }
0x5f: {  	_ =	shalt  }
0x60: {  	_ =	shalt  }
0x61: {  	_ =	shalt  }
0x62: {  	_ =	shalt  }
0x63: {  	_ =	shalt  }
0x64: {  	_ =	shalt  }
0x65: {  	_ =	shalt  }
0x66: {  	_ =	shalt  }
0x67: {  	_ =	shalt  }
0x68: {  	_ =	shalt  }
0x69: {  	_ =	shalt  }
0x6a: {  	_ =	shalt  }
0x6b: {  	_ =	shalt  }
0x6c: {  	_ =	shalt  }
0x6d: {  	_ =	shalt  }
0x6e: {  	_ =	shalt  }
0x6f: {  	_ =	shalt  }
0x70: {  	_ =	shalt  }
0x71: {  	_ =	shalt  }
0x72: {  	_ =	shalt  }
0x73: {  	_ =	shalt  }
0x74: {  	_ =	shalt  }
0x75: {  	_ =	shalt  }
0x76: {  	_ =	shalt  }
0x77: {  	_ =	shalt  }
0x78: {  	_ =	shalt  }
0x79: {  	_ =	shalt  }
0x7a: {  	_ =	shalt  }
0x7b: {  	_ =	shalt  }
0x7c: {  	_ =	shalt  }
0x7d: {  	_ =	shalt  }
0x7e: {  	_ =	shalt  }
0x7f: {  	_ =	shalt  }
0x80: {  	_ =	shalt  }
0x81: {  	_ =	shalt  }
0x82: {  	_ =	shalt  }
0x83: {  	_ =	shalt  }
0x84: {  	_ =	shalt  }
0x85: {  	_ =	shalt  }
0x86: {  	_ =	shalt  }
0x87: {  	_ =	shalt  }
.Lfunc_end0:
.L_simem_size_0:
called_computation_lowered:
.L_overlay_start_0:
0x88: {  	s2 =	sld [smem:$0x3FD9]  }
0x89: {  	s3 =	sld [smem:$0x3FFE];
	_ =	sdelay $0x1  }
0x8a: {  	s1 =	srdreg.scid  }
0x8b: {  	s0 =	sand.u32 $0x1, s1  }
0x8c: {  	s17 =	sshll.u32 s0, $0xA;
	s2 =	sadd.s32 s3, s2  }
0x8d: {  	s2 =	sadd.s32 s2, s17  }
0x8e: {  	[smem:$0x3FC4] =	sst s2  }
0x8f: {  	_ = 	snop  }
0x90: {  	s2 =	sld [smem:$0x3FC9]  }
0x91: {  	s18 =	sld [smem:$0x3FD0];
	(tm) =	ssettm $0x1  }
0x92: {  	s4 =	sld [smem:$0x3FFB];
	_ =	sdelay $0x3  }
0x93: {  	_ =	strace s4  }
0x94: {  	s4 =	sld [smem:$0x3FFC];
	_ =	sdelay $0x3  }
0x95: {  	_ =	strace s4  }
0x96: {  	s4 =	sld [smem:$0x3FFD];
	_ =	sdelay $0x3  }
0x97: {  	_ =	strace s4  }
0x98: {  	_ =	strace $0x8FFFFFFF  }
0x99: {  	s19 =	sld [smem:$0x3FDB];
	_ =	sdelay $0x1  }
0x9a: {  	s5 =	simm.s32 $_scs_section_size  }
0x9b: {  	s6 =	simm.s32 $_size__tile_overlayer_lowered;
	s7 =	simm.s32 $_tile_overlayer_lowered  }
0x9c: {  	s22 =	simm.s32 $0x1BFF;
	s21 =	sshll.u32 s7, $0x1;
	s4 =	sadd.s32 s5, s19  }
0x9d: {  	s8 =	simm.s32 $0x0;
	s20 =	sshll.u32 s6, $0x1;
	s6 =	sadd.s32 s21, s4  }
0x9e: {  	[timem:s8], [sflag:s22] =	dma.local [hbm:s6], s20  }
0x9f: {  	_ =	swait.ge [sflag:s22], s20  }
0xa0: {  	s5 =	ssub.s32 $0x0, s20;
	[sflag:s22] =	ssyncset.done $0x0  }
0xa1: {  	[sflag:s22] =	ssyncadd.s32 s5;
	_ =	sdelay $0x1  }
0xa2: {  	s23 =	simm.s32 $0x1B8B  }
0xa3: {  	_ =	swait.ge [sflag:s23], $0x1  }
0xa4: {  	[sflag:s23] =	ssyncset.done $0x0  }
0xa5: {  	s25 =	simm.s32 $0x1B8E;
	s24 =	sld [smem:$0x3FFE];
	[sflag:s23] =	ssyncadd.s32 $0xFFFFFFFF  }
0xa6: {  	s26 =	simm.s32 $execute0_lowered;
	[smem:$0x3FD2] =	sst s25  }
0xa7: {  	s6 =	sshll.u32 s26, $0x1;
	_ =	strace $0x80000046;
	[dreg:$0x1] =	wrdreg $0xFFFFFFFF  }
0xa8: {  	s28 =	simm.s32 $_size_execute0_lowered;
	s4 =	sadd.s32 s4, s6;
	[dreg:$0x0] =	wrdreg $0x0  }
0xa9: {  	s6 =	sshll.u32 s28, $0x1;
	[dreg:$0x2] =	wrdreg s4  }
0xaa: {  	[dreg:$0x3] =	wrdreg s6  }
0xab: {  	[dreg:$0x4] =	wrdreg $0xC0  }
0xac: {  	_ =	task [dreg:s8], $0x5FFFF  }
0xad: {  	[dreg:$0x1] =	wrdreg $0xFFFFFFFF  }
0xae: {  	[dreg:$0x0] =	wrdreg $0x60  }
0xaf: {  	[dreg:$0x2] =	wrdreg s18  }
0xb0: {  	[dreg:$0x3] =	wrdreg s24  }
0xb1: {  	[dreg:$0x4] =	wrdreg s2  }
0xb2: {  	[dreg:$0x5] =	wrdreg $0xB0000  }
0xb3: {  	[dreg:$0x6] =	wrdreg $0x9  }
0xb4: {  	_ =	task.clear_ibuf [dreg:s8], $0x7FFFF;
	_ =	strace $0x90000046  }
0xb5: {  	s29 =	simm.s32 $0x9;
	_ =	strace $0x80000048  }
0xb6: {  	_ =	swait.ge [sflag:s29], $0x1  }
0xb7: {  	[sflag:s29] =	ssyncadd.s32 $0xFFFFFFFF  }
0xb8: {  	_ =	strace $0x90000048  }
0xb9: {  	_ =	sfence  }
0xba: {  	s30 =	sld [smem:$0x0];
	_ =	sdelay $0x2  }
0xbb: {  	s31 =	sshll.u32 s1, $0xD;
	s1 =	sshrl.u32 s1, $0x2  }
0xbc: {  	s3 =	sand.u32 $0x4000, s31;
	s1 =	sadd.s32 s1, s30  }
0xbd: {  	s0 =	sor.u32 s3, s0;
	s1 =	sshll.u32 s1, $0x11  }
0xbe: {  	s0 =	sor.u32 s1, s0  }
0xbf: {  	s0 =	sadd.s32 $0x8F2B, s0  }
0xc0: {  	[sflag:s0] =	ssyncadd.remote.s32 $0x1  }
0xc1: {  	_ =	sfence.sel $0xFFFF  }
0xc2: {  	[dreg:$0x0] =	wrdreg $0xFFFFFFFF;
	(pc) =	sbr.abs _section_cstart, $3  }
0xc3: {  	[dreg:$0x1] =	wrdreg $0xFFFFFFFF  }
0xc4: {  	_ =	task.clear_ibuf [dreg:s8], $0x2FFFF;
	_ =	strace $0x9FFFFFFF  }
0xc5: {  	(tm) =	ssettm $0x7FFFFFFF  }
tec
execute0_lowered:
.L_overlay_start_1:
0x0: {  	(tag) =	ssettag $0x1  }
0x1: {  	s6 =	rddreg [dreg:$0x0]  }
0x2: {  	s5 =	rddreg [dreg:$0x1]  }
0x3: {  	s1 =	rddreg [dreg:$0x2]  }
0x4: {  	s3 =	rddreg [dreg:$0x3]  }
0x5: {  	s0 =	srdreg.scid;
	s2 =	rddreg [dreg:$0x4];
	s4 =	simm.s32 $0x0  }
0x6: {  	s19 =	simm.s32 $0x9000;
	s20 =	simm.s32 $0x2;
	s21 =	simm.s32 $0x2800  }
0x7: {  	s22 =	simm.s32 $0x80;
	s23 =	simm.s32 $0x5000;
	s7 =	sand.u32 $0x1, s0  }
0x8: {  	s24 =	simm.s32 $0x1;
	s0 =	stileid.u32;
	s8 =	smul.u32 $0x13C000, s7  }
0x9: {  	[smem:$0x7FF] =	sst s4;
	s9 =	sshll.u32 s7, $0x4;
	s10 =	smul.u32 $0x13C00, s0  }
0xa: {  	_ =	strace $0x80000047;
	s29 =	smul.u32 $0x50000, s0;
	s30 =	ssub.s32 $0x2, s7  }
0xb: {  	s12 =	smul.u32 $0x4F000, s0;
	s9 =	sor.u32 s0, s9;
	s7 =	sshrl.u32 s30, $0x1  }
0xc: {  	s9 =	smul.u32 $0x500, s9;
	s8 =	sadd.s32 s10, s8;
	s10 =	sshrl.u32 s29, $0x2  }
0xd: {  	s13 =	ssub.s32 s30, s7;
	s31 =	sshrl.u32 s12, $0x2;
	s8 =	sshrl.u32 s8, $0x3  }
0xe: {  	s25 =	sadd.s32 s31, s3;
	s11 =	sadd.s32 s9, s5;
	s8 =	sadd.s32 s8, s5  }
0xf: {  	s5 =	sadd.s32 s10, s3;
	s6 =	sadd.s32 s6, s9;
	s9 =	smax.u32 s13, $0x1  }
0x10: {  	s25 =	sshrl.u32 s25, $0x3;
	s7 =	sadd.s32 $0x200, s11;
	s8 =	sadd.s32 $0xA200, s8  }
0x11: {  	s10 =	sadd.s32 $0x2000, s5;
	s11 =	sadd.s32 $0x4000, s5;
	s12 =	sadd.s32 $0x6000, s5  }
0x12: {  	s13 =	sadd.s32 $0x8000, s5;
	s14 =	sadd.s32 $0xA000, s5;
	s15 =	sadd.s32 $0xC000, s5  }
0x13: {  	v0 =	vimm.f32 $0.0e+00;
	s16 =	sadd.s32 $0xE000, s5;
	s17 =	sadd.s32 $0x10000, s5;
	s18 =	sadd.s32 $0x12000, s5  }
.LBB2_1:
0x14: {  	s26 =	simm.s32 $0x0;
	s28 =	simm.s32 $0x200  }
.LBB2_2:
0x15: {  	p0 =	sne.s32 s28, $0x7E00;
	[tilespmem:s26+$0x9070] =	vst v0  }
0x16: {  	[tilespmem:s26+$0x9000] =	vst v0  }
0x17: {  	[tilespmem:s26+$0x9010] =	vst v0  }
.Ltmp0:
0x18: {  	[tilespmem:s26+$0x9020] =	vst v0;
	(pc) =	sbr.rel @p0 .LBB2_2-.Ltmp0, $4  }
0x19: {  	[tilespmem:s26+$0x9030] =	vst v0  }
0x1a: {  	[tilespmem:s26+$0x9040] =	vst v0  }
0x1b: {  	[tilespmem:s26+$0x9050] =	vst v0  }
0x1c: {  	[tilespmem:s26+$0x9060] =	vst v0;
	s26 =	sshra.s32 s28, $0x2;
	s28 =	sadd.s32 $0x200, s28  }
0x1d: {  	[tilespmem:s26+$0x9070] =	vst v0  }
0x1e: {  	[tilespmem:s26+$0x9000] =	vst v0  }
0x1f: {  	[tilespmem:s26+$0x9010] =	vst v0  }
0x20: {  	[tilespmem:s26+$0x9020] =	vst v0  }
0x21: {  	[tilespmem:s26+$0x9030] =	vst v0  }
0x22: {  	[tilespmem:s26+$0x9040] =	vst v0  }
0x23: {  	[tilespmem:s26+$0x9050] =	vst v0  }
0x24: {  	[tilespmem:s26+$0x9060] =	vst v0  }
0x25: {  	[spmem:s5] =	stream.linear.scatter [tilespmem:s19], [sflag:$0x2], $0x2000, $0x38;
	[tilespmem:$0x1F000] =	vst v63  }
0x26: {  	_ =	swait.ge [sflag:s20], $0x2000  }
0x27: {  	[sflag:s20] =	ssyncset.done $0x0  }
0x28: {  	[sflag:s20] =	ssyncadd.s32 $0xFFFFE000  }
0x29: {  	[spmem:s10] =	stream.linear.scatter [tilespmem:s19], [sflag:$0x2], $0x2000, $0x38;
	[tilespmem:$0x1F000] =	vst v63  }
0x2a: {  	_ =	swait.ge [sflag:s20], $0x2000  }
0x2b: {  	[sflag:s20] =	ssyncset.done $0x0  }
0x2c: {  	[sflag:s20] =	ssyncadd.s32 $0xFFFFE000  }
0x2d: {  	[spmem:s11] =	stream.linear.scatter [tilespmem:s19], [sflag:$0x2], $0x2000, $0x38;
	[tilespmem:$0x1F000] =	vst v63  }
0x2e: {  	_ =	swait.ge [sflag:s20], $0x2000  }
0x2f: {  	[sflag:s20] =	ssyncset.done $0x0  }
0x30: {  	[sflag:s20] =	ssyncadd.s32 $0xFFFFE000  }
0x31: {  	[spmem:s12] =	stream.linear.scatter [tilespmem:s19], [sflag:$0x2], $0x2000, $0x38;
	[tilespmem:$0x1F000] =	vst v63  }
0x32: {  	_ =	swait.ge [sflag:s20], $0x2000  }
0x33: {  	[sflag:s20] =	ssyncset.done $0x0  }
0x34: {  	[sflag:s20] =	ssyncadd.s32 $0xFFFFE000  }
0x35: {  	[spmem:s13] =	stream.linear.scatter [tilespmem:s19], [sflag:$0x2], $0x2000, $0x38;
	[tilespmem:$0x1F000] =	vst v63  }
0x36: {  	_ =	swait.ge [sflag:s20], $0x2000  }
0x37: {  	[sflag:s20] =	ssyncset.done $0x0  }
0x38: {  	[sflag:s20] =	ssyncadd.s32 $0xFFFFE000  }
0x39: {  	[spmem:s14] =	stream.linear.scatter [tilespmem:s19], [sflag:$0x2], $0x2000, $0x38;
	[tilespmem:$0x1F000] =	vst v63  }
0x3a: {  	_ =	swait.ge [sflag:s20], $0x2000  }
0x3b: {  	[sflag:s20] =	ssyncset.done $0x0  }
0x3c: {  	[sflag:s20] =	ssyncadd.s32 $0xFFFFE000  }
0x3d: {  	[spmem:s15] =	stream.linear.scatter [tilespmem:s19], [sflag:$0x2], $0x2000, $0x38;
	[tilespmem:$0x1F000] =	vst v63  }
0x3e: {  	_ =	swait.ge [sflag:s20], $0x2000  }
0x3f: {  	[sflag:s20] =	ssyncset.done $0x0  }
0x40: {  	[sflag:s20] =	ssyncadd.s32 $0xFFFFE000  }
0x41: {  	[spmem:s16] =	stream.linear.scatter [tilespmem:s19], [sflag:$0x2], $0x2000, $0x38;
	[tilespmem:$0x1F000] =	vst v63  }
0x42: {  	_ =	swait.ge [sflag:s20], $0x2000  }
0x43: {  	[sflag:s20] =	ssyncset.done $0x0  }
0x44: {  	[sflag:s20] =	ssyncadd.s32 $0xFFFFE000  }
0x45: {  	[spmem:s17] =	stream.linear.scatter [tilespmem:s19], [sflag:$0x2], $0x2000, $0x38;
	[tilespmem:$0x1F000] =	vst v63  }
0x46: {  	_ =	swait.ge [sflag:s20], $0x2000  }
0x47: {  	[sflag:s20] =	ssyncset.done $0x0  }
0x48: {  	[sflag:s20] =	ssyncadd.s32 $0xFFFFE000  }
0x49: {  	[spmem:s18] =	stream.linear.scatter [tilespmem:s19], [sflag:$0x2], $0x2000, $0x38;
	[tilespmem:$0x1F000] =	vst v63  }
0x4a: {  	_ =	swait.ge [sflag:s20], $0x2000  }
0x4b: {  	[sflag:s20] =	ssyncset.done $0x0  }
0x4c: {  	[sflag:s20] =	ssyncadd.s32 $0xFFFFE000  }
0x4d: {  	s29 =	simm.s32 $0x0;
	[bflag:$0x0] =	sbarrier.arrive $0xFFFF  }
0x4e: {  	[tilespmem:s29], [sflag:$0x2] =	stream.linear.gather [hbm4b:s6+s29], $0x2780, $0x38;
	[tilespmem:$0x1F000] =	vst v63  }
0x4f: {  	_ =	swait.ge [sflag:s20], $0x2780  }
0x50: {  	[sflag:s20] =	ssyncset.done $0x0  }
0x51: {  	[sflag:s20] =	ssyncadd.s32 $0xFFFFD880  }
0x52: {  	[tilespmem:s21], [sflag:$0x2] =	stream.linear.gather [hbm4b:s7+s29], $0x2780, $0x38;
	[tilespmem:$0x1F000] =	vst v63  }
0x53: {  	_ =	swait.ge [sflag:s20], $0x2780  }
0x54: {  	[sflag:s20] =	ssyncset.done $0x0  }
0x55: {  	s30 =	simm.s32 $0x0;
	[sflag:s20] =	ssyncadd.s32 $0xFFFFD880  }
0x56: {  	[tilespmem:s23], [sflag:$0x1] =	stream.indirect.gather [hbm4b:s1+s22], $0x80, s30, s22, $0xb8;
	[tilespmem:$0x1F000] =	vst v63  }
0x57: {  	_ =	swait.ge [sflag:s24], $0x4000  }
0x58: {  	[sflag:s24] =	ssyncset.done $0x0  }
0x59: {  	s31 =	simm.s32 $0x2800;
	[sflag:s24] =	ssyncadd.s32 $0xFFFFC000  }
0x5a: {  	[spmem:s3] =	stream.indirect.scatter.add.f32 [tilespmem:s23], [sflag:$0x2], $0x80, s31, s22, $0xb8;
	[tilespmem:$0x1F000] =	vst v63  }
0x5b: {  	_ =	swait.ge [sflag:s20], $0x4000  }
0x5c: {  	s26 =	simm.s32 $0x200;
	s28 =	simm.s32 $0x400;
	[sflag:s20] =	ssyncset.done $0x0  }
.LBB2_4:
0x5d: {  	s29 =	sshra.s32 s26, $0x2  }
0x5e: {  	[sflag:s20] =	ssyncadd.s32 $0xFFFFC000;
	s26 =	smov.u32 s28;
	s30 =	sadd.s32 $0x200, s28  }
0x5f: {  	[tilespmem:s23], [sflag:$0x1] =	stream.indirect.gather [hbm4b:s1+s22], $0x80, s29, s22, $0xb8;
	[tilespmem:$0x1F000] =	vst v63  }
0x60: {  	p0 =	sne.s32 s28, $0x9C00;
	_ =	swait.ge [sflag:s24], $0x4000  }
.Ltmp1:
0x61: {  	[sflag:s24] =	ssyncset.done $0x0;
	(pc) =	sbr.rel @p0 .LBB2_4-.Ltmp1, $4  }
0x62: {  	s28 =	sadd.s32 $0x2800, s29;
	[sflag:s24] =	ssyncadd.s32 $0xFFFFC000  }
0x63: {  	[spmem:s3] =	stream.indirect.scatter.add.f32 [tilespmem:s23], [sflag:$0x2], $0x80, s28, s22, $0xb8;
	[tilespmem:$0x1F000] =	vst v63  }
0x64: {  	_ =	swait.ge [sflag:s20], $0x4000  }
0x65: {  	s28 =	smov.u32 s30;
	[sflag:s20] =	ssyncset.done $0x0  }
0x66: {  	s26 =	sshra.s32 s26, $0x2;
	[sflag:s20] =	ssyncadd.s32 $0xFFFFC000  }
0x67: {  	[tilespmem:s23], [sflag:$0x1] =	stream.indirect.gather [hbm4b:s1+s22], $0x80, s26, s22, $0xb8;
	[tilespmem:$0x1F000] =	vst v63  }
0x68: {  	_ =	swait.ge [sflag:s24], $0x4000  }
0x69: {  	[sflag:s24] =	ssyncset.done $0x0  }
0x6a: {  	s26 =	sadd.s32 $0x2800, s26;
	[sflag:s24] =	ssyncadd.s32 $0xFFFFC000  }
0x6b: {  	[spmem:s3] =	stream.indirect.scatter.add.f32 [tilespmem:s23], [sflag:$0x2], $0x80, s26, s22, $0xb8;
	[tilespmem:$0x1F000] =	vst v63  }
0x6c: {  	_ =	swait.ge [sflag:s20], $0x4000  }
0x6d: {  	s4 =	sadd.s32 $0x1, s4;
	[sflag:s20] =	ssyncset.done $0x0  }
0x6e: {  	s31 =	sshll.u32 s0, $0x6;
	p0 =	sne.s32 s4, s9;
	[sflag:s20] =	ssyncadd.s32 $0xFFFFC000  }
.Ltmp2:
0x6f: {  	s26 =	sor.u32 $0x1C02, s31;
	[bflag:$0x0] =	sbarrier.arrive $0xFFFF;
	(pc) =	sbr.rel @p0 .LBB2_1-.Ltmp2, $4  }
0x70: {  	[hbm:s8], [sflag:s26] =	dma.local [spmem:s25], $0x2780  }
0x71: {  	_ =	swait.ge [sflag:s20], $0x2780  }
0x72: {  	[sflag:s20] =	ssyncset.done $0x0  }
0x73: {  	[sflag:s20] =	ssyncadd.s32 $0xFFFFD880  }
0x74: {  	_ =	sfence.sel $0x180000  }
0x75: {  	[bflag:$0x0] =	sbarrier.arrive $0xFFFF  }
0x76: {  	p0 =	sne.s32 s0, $0x0;
	_ =	strace $0x90000047  }
0x77: {  	s0 =	sadd.s32 @!p0 $0x100000, s2;
	[bflag:$0x2] =	sbarrier.arrive $0xFFFF  }
0x78: {  	[sflag:s0] =	ssyncadd.tile.s32 @!p0 $0x1;
	_ =	shalt  }
.Lfunc_end2:
_tile_overlayer_lowered:
.L_overlay_start_2:
0x79: {  	(tag) =	ssettag $0x2  }
0x7a: {  	s0 =	rddreg [dreg:$0x0];
	s2 =	stileid.u32  }
0x7b: {  	s1 =	rddreg [dreg:$0x1];
	p0 =	sne.s32 s2, $0x0  }
0x7c: {  	s3 =	rddreg [dreg:$0x2];
	[bflag:$0x3] =	sbarrier.arrive $0xFFFF;
	s2 =	simm.s32 @!p0 $0x1C02  }
0x7d: {  	[timem:s3], [sflag:s2] =	dma.local @!p0 [hbm:s0], s1  }
0x7e: {  	s0 =	simm.s32 @!p0 $0x2  }
0x7f: {  	_ =	swait.ge @!p0 [sflag:s0], s1  }
0x80: {  	s1 =	ssub.s32 @!p0 $0x0, s1;
	[sflag:s0] =	ssyncset.done @!p0 $0x0  }
0x81: {  	[sflag:s0] =	ssyncadd.s32 @!p0 s1  }
0x82: {  	[bflag:$0x3] =	sbarrier.arrive $0xFFFF  }
0x83: {  	_ =	shalt  }

</sc_bundles>
